<compile_context>
chip_gen: v7x
topology: tpu7x:2x2x1
jax: 0.10.2.dev20260603
libtpu: 0.0.44.dev20260713+nightly
codegen_flags: <defaults>
</compile_context>

<pallas_src>
import numpy as np
import jax
import jax.numpy as jnp
from jax.experimental import pallas as pl
from jax.experimental.pallas import tpu as pltpu

_B = 4
_C = 4
_H = 32
_K = 16
_N_LEAVES = 16
_GROUPS = 27 * _C
_LANES = 32 * 32

_OP_COEFS = np.array(
    [
        [0, 0, 0, 0],
        [0, 0, 0, 1],
        [0, 1, 0, -1],
        [0, 1, 0, 0],
        [0, 0, 1, -1],
        [0, 0, 1, 0],
        [0, 1, 1, -2],
        [0, 1, 1, -1],
        [1, -1, -1, 1],
        [1, -1, -1, 2],
        [1, 0, -1, 0],
        [1, 0, -1, 1],
        [1, -1, 0, 0],
        [1, -1, 0, 1],
        [1, 0, 0, -1],
        [1, 0, 0, 0],
    ],
    dtype=np.float32,
)


def _tree_kernel(grp_ref, coef_ref, xs_ref, out_ref):
    for k in range(_K):
        def leaf(l):
            return xs_ref[0, grp_ref[k, l], :, :]

        def node(a, b, idx):
            al = coef_ref[k, idx, 0]
            be = coef_ref[k, idx, 1]
            ga = coef_ref[k, idx, 2]
            de = coef_ref[k, idx, 3]
            return al + be * a + ga * b + de * (a * b)

        out_ref[0, k] = leaf(0)


def kernel(x, c_idx, h_off, w_off, d_off, W0, W1, W2, W3):
    xp = jnp.pad(x, ((0, 0), (0, 0), (1, 1), (1, 1), (1, 1)))
    parts = [
        xp[:, :, hi : hi + 32, wi : wi + 32, di : di + 32]
        for hi in range(3)
        for wi in range(3)
        for di in range(3)
    ]
    xs = jnp.stack(parts, axis=1)
    xs = xs.reshape(_B, _GROUPS, 32, _LANES)

    shift = (h_off * 3 + w_off) * 3 + d_off
    grp = shift * _C + c_idx

    m = jnp.asarray(_OP_COEFS)
    coefs = []
    for wl in (W0, W1, W2, W3):
        p = jax.nn.softmax(wl, axis=-1)
        coefs.append(jnp.einsum("nki,ij->knj", p, m))
    coef = jnp.concatenate(coefs, axis=1)

    out = pl.pallas_call(
        _tree_kernel,
        grid=(_B,),
        in_specs=[
            pl.BlockSpec(memory_space=pltpu.SMEM),
            pl.BlockSpec(memory_space=pltpu.SMEM),
            pl.BlockSpec((1, _GROUPS, 32, _LANES), lambda b: (b, 0, 0, 0)),
        ],
        out_specs=pl.BlockSpec((1, _K, 32, _LANES), lambda b: (b, 0, 0, 0)),
        out_shape=jax.ShapeDtypeStruct((_B, _K, 32, _LANES), jnp.float32),
        compiler_params=pltpu.CompilerParams(
            dimension_semantics=("arbitrary",),
        ),
    )(grp, coef, xs)
    return out.reshape(_B, _K, 32, 32, 32)

# --- scband reference (transcript-rebuilt; emitter-appended) ---
"""Pipeline reference for scband-logic-conv3d-74457553044330 (READ-ONLY COPY).

The authoritative reference and input builder live on the scoring server;
editing this copy changes nothing except your own understanding.
"""

import jax, jax.numpy as jnp
import numpy as np

B = 4; C = 4; H = 32; W = 32; D = 32
K = 16            # num_kernels
TREE_DEPTH = 3
RFS = 3; STRIDE = 1; PAD = 1
N_NODES0 = 2 ** TREE_DEPTH       # nodes in the first (deepest) tree level = 8
N_LEAVES = 2 * N_NODES0          # lut_rank=2 inputs per first-level node = 16
OUT = (H + 2 * PAD - RFS) // STRIDE + 1   # 32
NW = OUT * OUT * OUT


def setup_inputs(seed: int = 0) -> dict:
    key = jax.random.key(seed)
    ks = jax.random.split(key, 16)
    x = jax.random.uniform(ks[0], (B, C, H, W, D), dtype=jnp.float32)
    # random receptive-field wiring per kernel/leaf: (channel, dh, dw, dd)
    c_idx = jax.random.randint(ks[1], (K, N_LEAVES), 0, C).astype(jnp.int32)
    h_off = jax.random.randint(ks[2], (K, N_LEAVES), 0, RFS).astype(jnp.int32)
    w_off = jax.random.randint(ks[3], (K, N_LEAVES), 0, RFS).astype(jnp.int32)
    d_off = jax.random.randint(ks[4], (K, N_LEAVES), 0, RFS).astype(jnp.int32)
    inp = {"x": x, "c_idx": c_idx, "h_off": h_off, "w_off": w_off, "d_off": d_off}
    # LUT logits per tree level: level l has 2**(TREE_DEPTH-l) nodes, each a
    # (K, 16) truth-table logit; residual init boosts the pass-through gate 'a'.
    for lvl in range(TREE_DEPTH + 1):
        n_nodes = 2 ** (TREE_DEPTH - lvl)
        w = 0.1 * jax.random.normal(ks[5 + lvl], (n_nodes, K, 16), dtype=jnp.float32)
        w = w.at[..., 3].add(1.0)  # residual_init_param = 1.0 toward op 'a'
        inp["W%d" % lvl] = w
    return inp


def _lut(a, b, probs):
    # 16 differentiable binary logic ops on real-valued a, b in [0,1]
    ab = a * b
    ops = [jnp.zeros_like(a), ab, a - ab, a, b - ab, b, a + b - 2 * ab,
           a + b - ab, 1 - (a + b - ab), 1 - (a + b - 2 * ab), 1 - b,
           1 - b + ab, 1 - a, 1 - a + ab, 1 - ab, jnp.ones_like(a)]
    out = jnp.zeros_like(a)
    for i in range(16):
        out = out + probs[..., i] * ops[i]
    return out


def _probs(wlvl):
    # (nodes, K, 16) logits -> softmax -> (1, K, 1, nodes, 16) for broadcast
    p = jax.nn.softmax(wlvl, axis=-1)
    return jnp.transpose(p, (1, 0, 2))[None, :, None, :, :]


def reference(x, c_idx, h_off, w_off, d_off, W0, W1, W2, W3):
    Ws = [W0, W1, W2, W3]
    xp = jnp.pad(x, ((0, 0), (0, 0), (PAD, PAD), (PAD, PAD), (PAD, PAD)))
    base = jnp.arange(OUT, dtype=jnp.int32) * STRIDE
    gh, gw, gd = jnp.meshgrid(base, base, base, indexing="ij")
    gh = gh.reshape(-1); gw = gw.reshape(-1); gd = gd.reshape(-1)  # (NW,)
    Hidx = gh[None, :, None] + h_off[:, None, :]   # (K, NW, N_LEAVES)
    Widx = gw[None, :, None] + w_off[:, None, :]
    Didx = gd[None, :, None] + d_off[:, None, :]
    Cidx = jnp.broadcast_to(c_idx[:, None, :], Hidx.shape)
    # random gather of all receptive-field leaves: (B, K, NW, N_LEAVES)
    leaves = xp[:, Cidx, Hidx, Widx, Didx]
    v = leaves.reshape(B, K, NW, N_NODES0, 2)
    v = _lut(v[..., 0], v[..., 1], _probs(Ws[0]))   # (B, K, NW, N_NODES0)
    for lvl in range(1, TREE_DEPTH + 1):
        a = v[..., 0::2]; b = v[..., 1::2]
        v = _lut(a, b, _probs(Ws[lvl]))
    return v.reshape(B, K, OUT, OUT, OUT)

if __name__ == "__main__":
    import jax
    _d = setup_inputs()
    print(jax.jit(kernel)(*tuple(_d.values())))

</pallas_src>

<mosaic_0001>
module attributes {stable_mosaic.version = 14 : i64} {
  func.func @_tree_kernel(%arg0: i32, %arg1: memref<16x16xi32, #tpu.memory_space<smem>>, %arg2: memref<16x15x4xf32, #tpu.memory_space<smem>>, %arg3: memref<1x108x32x1024xf32, #tpu.memory_space<vmem>>, %arg4: memref<1x16x32x1024xf32, #tpu.memory_space<vmem>>) attributes {dimension_semantics = [#tpu.dimension_semantics<arbitrary>], iteration_bounds = array<i64: 4>, scalar_prefetch = 0 : i64, scratch_operands = 0 : i64, tpu.core_type = #tpu.core_type<tc>, window_params = [{transform_indices = @transform_0, window_bounds = array<i64: 16, 16>}, {transform_indices = @transform_1, window_bounds = array<i64: 16, 15, 4>}, {transform_indices = @transform_2, window_bounds = array<i64: 1, 108, 32, 1024>}, {transform_indices = @transform_3, window_bounds = array<i64: 1, 16, 32, 1024>}]} {
    %get3A = arith.constant 0 : index
    %get3A_0 = arith.constant 0 : index
    %get3A_1 = memref.load %arg1[%get3A, %get3A_0] : memref<16x16xi32, #tpu.memory_space<smem>>
    %get3A_2 = arith.constant 0 : index
    %get3A_3 = arith.index_cast %get3A_1 : i32 to index
    %get3A_4 = arith.constant 0 : index
    %get3A_5 = arith.constant 0 : index
    %get3A_6 = vector.load %arg3[%get3A_2, %get3A_3, %get3A_4, %get3A_5] : memref<1x108x32x1024xf32, #tpu.memory_space<vmem>>, vector<1x1x32x1024xf32>
    %get3A_7 = vector.shape_cast %get3A_6 : vector<1x1x32x1024xf32> to vector<32x1024xf32>
    %swap3A = arith.constant 0 : index
    %swap3A_8 = arith.constant 0 : index
    %swap3A_9 = arith.constant 0 : index
    %swap3A_10 = arith.constant 0 : index
    %swap3A_11 = vector.load %arg4[%swap3A, %swap3A_8, %swap3A_9, %swap3A_10] : memref<1x16x32x1024xf32, #tpu.memory_space<vmem>>, vector<1x1x32x1024xf32>
    %swap3A_12 = vector.shape_cast %swap3A_11 : vector<1x1x32x1024xf32> to vector<32x1024xf32>
    %swap3A_13 = vector.shape_cast %get3A_7 : vector<32x1024xf32> to vector<1x1x32x1024xf32>
    tpu.vector_store %arg4[%swap3A, %swap3A_8, %swap3A_9, %swap3A_10], %swap3A_13 {strides = array<i32>} : memref<1x16x32x1024xf32, #tpu.memory_space<vmem>>, vector<1x1x32x1024xf32>,
    %get3A_14 = arith.constant 1 : index
    %get3A_15 = arith.constant 0 : index
    %get3A_16 = memref.load %arg1[%get3A_14, %get3A_15] : memref<16x16xi32, #tpu.memory_space<smem>>
    %get3A_17 = arith.constant 0 : index
    %get3A_18 = arith.index_cast %get3A_16 : i32 to index
    %get3A_19 = arith.constant 0 : index
    %get3A_20 = arith.constant 0 : index
    %get3A_21 = vector.load %arg3[%get3A_17, %get3A_18, %get3A_19, %get3A_20] : memref<1x108x32x1024xf32, #tpu.memory_space<vmem>>, vector<1x1x32x1024xf32>
    %get3A_22 = vector.shape_cast %get3A_21 : vector<1x1x32x1024xf32> to vector<32x1024xf32>
    %swap3A_23 = arith.constant 0 : index
    %swap3A_24 = arith.constant 1 : index
    %swap3A_25 = arith.constant 0 : index
    %swap3A_26 = arith.constant 0 : index
    %swap3A_27 = vector.load %arg4[%swap3A_23, %swap3A_24, %swap3A_25, %swap3A_26] : memref<1x16x32x1024xf32, #tpu.memory_space<vmem>>, vector<1x1x32x1024xf32>
    %swap3A_28 = vector.shape_cast %swap3A_27 : vector<1x1x32x1024xf32> to vector<32x1024xf32>
    %swap3A_29 = vector.shape_cast %get3A_22 : vector<32x1024xf32> to vector<1x1x32x1024xf32>
    tpu.vector_store %arg4[%swap3A_23, %swap3A_24, %swap3A_25, %swap3A_26], %swap3A_29 {strides = array<i32>} : memref<1x16x32x1024xf32, #tpu.memory_space<vmem>>, vector<1x1x32x1024xf32>,
    %get3A_30 = arith.constant 2 : index
    %get3A_31 = arith.constant 0 : index
    %get3A_32 = memref.load %arg1[%get3A_30, %get3A_31] : memref<16x16xi32, #tpu.memory_space<smem>>
    %get3A_33 = arith.constant 0 : index
    %get3A_34 = arith.index_cast %get3A_32 : i32 to index
    %get3A_35 = arith.constant 0 : index
    %get3A_36 = arith.constant 0 : index
    %get3A_37 = vector.load %arg3[%get3A_33, %get3A_34, %get3A_35, %get3A_36] : memref<1x108x32x1024xf32, #tpu.memory_space<vmem>>, vector<1x1x32x1024xf32>
    %get3A_38 = vector.shape_cast %get3A_37 : vector<1x1x32x1024xf32> to vector<32x1024xf32>
    %swap3A_39 = arith.constant 0 : index
    %swap3A_40 = arith.constant 2 : index
    %swap3A_41 = arith.constant 0 : index
    %swap3A_42 = arith.constant 0 : index
    %swap3A_43 = vector.load %arg4[%swap3A_39, %swap3A_40, %swap3A_41, %swap3A_42] : memref<1x16x32x1024xf32, #tpu.memory_space<vmem>>, vector<1x1x32x1024xf32>
    %swap3A_44 = vector.shape_cast %swap3A_43 : vector<1x1x32x1024xf32> to vector<32x1024xf32>
    %swap3A_45 = vector.shape_cast %get3A_38 : vector<32x1024xf32> to vector<1x1x32x1024xf32>
    tpu.vector_store %arg4[%swap3A_39, %swap3A_40, %swap3A_41, %swap3A_42], %swap3A_45 {strides = array<i32>} : memref<1x16x32x1024xf32, #tpu.memory_space<vmem>>, vector<1x1x32x1024xf32>,
    %get3A_46 = arith.constant 3 : index
    %get3A_47 = arith.constant 0 : index
    %get3A_48 = memref.load %arg1[%get3A_46, %get3A_47] : memref<16x16xi32, #tpu.memory_space<smem>>
    %get3A_49 = arith.constant 0 : index
    %get3A_50 = arith.index_cast %get3A_48 : i32 to index
    %get3A_51 = arith.constant 0 : index
    %get3A_52 = arith.constant 0 : index
    %get3A_53 = vector.load %arg3[%get3A_49, %get3A_50, %get3A_51, %get3A_52] : memref<1x108x32x1024xf32, #tpu.memory_space<vmem>>, vector<1x1x32x1024xf32>
    %get3A_54 = vector.shape_cast %get3A_53 : vector<1x1x32x1024xf32> to vector<32x1024xf32>
    %swap3A_55 = arith.constant 0 : index
    %swap3A_56 = arith.constant 3 : index
    %swap3A_57 = arith.constant 0 : index
    %swap3A_58 = arith.constant 0 : index
    %swap3A_59 = vector.load %arg4[%swap3A_55, %swap3A_56, %swap3A_57, %swap3A_58] : memref<1x16x32x1024xf32, #tpu.memory_space<vmem>>, vector<1x1x32x1024xf32>
    %swap3A_60 = vector.shape_cast %swap3A_59 : vector<1x1x32x1024xf32> to vector<32x1024xf32>
    %swap3A_61 = vector.shape_cast %get3A_54 : vector<32x1024xf32> to vector<1x1x32x1024xf32>
    tpu.vector_store %arg4[%swap3A_55, %swap3A_56, %swap3A_57, %swap3A_58], %swap3A_61 {strides = array<i32>} : memref<1x16x32x1024xf32, #tpu.memory_space<vmem>>, vector<1x1x32x1024xf32>,
    %get3A_62 = arith.constant 4 : index
    %get3A_63 = arith.constant 0 : index
    %get3A_64 = memref.load %arg1[%get3A_62, %get3A_63] : memref<16x16xi32, #tpu.memory_space<smem>>
    %get3A_65 = arith.constant 0 : index
    %get3A_66 = arith.index_cast %get3A_64 : i32 to index
    %get3A_67 = arith.constant 0 : index
    %get3A_68 = arith.constant 0 : index
    %get3A_69 = vector.load %arg3[%get3A_65, %get3A_66, %get3A_67, %get3A_68] : memref<1x108x32x1024xf32, #tpu.memory_space<vmem>>, vector<1x1x32x1024xf32>
    %get3A_70 = vector.shape_cast %get3A_69 : vector<1x1x32x1024xf32> to vector<32x1024xf32>
    %swap3A_71 = arith.constant 0 : index
    %swap3A_72 = arith.constant 4 : index
    %swap3A_73 = arith.constant 0 : index
    %swap3A_74 = arith.constant 0 : index
    %swap3A_75 = vector.load %arg4[%swap3A_71, %swap3A_72, %swap3A_73, %swap3A_74] : memref<1x16x32x1024xf32, #tpu.memory_space<vmem>>, vector<1x1x32x1024xf32>
    %swap3A_76 = vector.shape_cast %swap3A_75 : vector<1x1x32x1024xf32> to vector<32x1024xf32>
    %swap3A_77 = vector.shape_cast %get3A_70 : vector<32x1024xf32> to vector<1x1x32x1024xf32>
    tpu.vector_store %arg4[%swap3A_71, %swap3A_72, %swap3A_73, %swap3A_74], %swap3A_77 {strides = array<i32>} : memref<1x16x32x1024xf32, #tpu.memory_space<vmem>>, vector<1x1x32x1024xf32>,
    %get3A_78 = arith.constant 5 : index
    %get3A_79 = arith.constant 0 : index
    %get3A_80 = memref.load %arg1[%get3A_78, %get3A_79] : memref<16x16xi32, #tpu.memory_space<smem>>
    %get3A_81 = arith.constant 0 : index
    %get3A_82 = arith.index_cast %get3A_80 : i32 to index
    %get3A_83 = arith.constant 0 : index
    %get3A_84 = arith.constant 0 : index
    %get3A_85 = vector.load %arg3[%get3A_81, %get3A_82, %get3A_83, %get3A_84] : memref<1x108x32x1024xf32, #tpu.memory_space<vmem>>, vector<1x1x32x1024xf32>
    %get3A_86 = vector.shape_cast %get3A_85 : vector<1x1x32x1024xf32> to vector<32x1024xf32>
    %swap3A_87 = arith.constant 0 : index
    %swap3A_88 = arith.constant 5 : index
    %swap3A_89 = arith.constant 0 : index
    %swap3A_90 = arith.constant 0 : index
    %swap3A_91 = vector.load %arg4[%swap3A_87, %swap3A_88, %swap3A_89, %swap3A_90] : memref<1x16x32x1024xf32, #tpu.memory_space<vmem>>, vector<1x1x32x1024xf32>
    %swap3A_92 = vector.shape_cast %swap3A_91 : vector<1x1x32x1024xf32> to vector<32x1024xf32>
    %swap3A_93 = vector.shape_cast %get3A_86 : vector<32x1024xf32> to vector<1x1x32x1024xf32>
    tpu.vector_store %arg4[%swap3A_87, %swap3A_88, %swap3A_89, %swap3A_90], %swap3A_93 {strides = array<i32>} : memref<1x16x32x1024xf32, #tpu.memory_space<vmem>>, vector<1x1x32x1024xf32>,
    %get3A_94 = arith.constant 6 : index
    %get3A_95 = arith.constant 0 : index
    %get3A_96 = memref.load %arg1[%get3A_94, %get3A_95] : memref<16x16xi32, #tpu.memory_space<smem>>
    %get3A_97 = arith.constant 0 : index
    %get3A_98 = arith.index_cast %get3A_96 : i32 to index
    %get3A_99 = arith.constant 0 : index
    %get3A_100 = arith.constant 0 : index
    %get3A_101 = vector.load %arg3[%get3A_97, %get3A_98, %get3A_99, %get3A_100] : memref<1x108x32x1024xf32, #tpu.memory_space<vmem>>, vector<1x1x32x1024xf32>
    %get3A_102 = vector.shape_cast %get3A_101 : vector<1x1x32x1024xf32> to vector<32x1024xf32>
    %swap3A_103 = arith.constant 0 : index
    %swap3A_104 = arith.constant 6 : index
    %swap3A_105 = arith.constant 0 : index
    %swap3A_106 = arith.constant 0 : index
    %swap3A_107 = vector.load %arg4[%swap3A_103, %swap3A_104, %swap3A_105, %swap3A_106] : memref<1x16x32x1024xf32, #tpu.memory_space<vmem>>, vector<1x1x32x1024xf32>
    %swap3A_108 = vector.shape_cast %swap3A_107 : vector<1x1x32x1024xf32> to vector<32x1024xf32>
    %swap3A_109 = vector.shape_cast %get3A_102 : vector<32x1024xf32> to vector<1x1x32x1024xf32>
    tpu.vector_store %arg4[%swap3A_103, %swap3A_104, %swap3A_105, %swap3A_106], %swap3A_109 {strides = array<i32>} : memref<1x16x32x1024xf32, #tpu.memory_space<vmem>>, vector<1x1x32x1024xf32>,
    %get3A_110 = arith.constant 7 : index
    %get3A_111 = arith.constant 0 : index
    %get3A_112 = memref.load %arg1[%get3A_110, %get3A_111] : memref<16x16xi32, #tpu.memory_space<smem>>
    %get3A_113 = arith.constant 0 : index
    %get3A_114 = arith.index_cast %get3A_112 : i32 to index
    %get3A_115 = arith.constant 0 : index
    %get3A_116 = arith.constant 0 : index
    %get3A_117 = vector.load %arg3[%get3A_113, %get3A_114, %get3A_115, %get3A_116] : memref<1x108x32x1024xf32, #tpu.memory_space<vmem>>, vector<1x1x32x1024xf32>
    %get3A_118 = vector.shape_cast %get3A_117 : vector<1x1x32x1024xf32> to vector<32x1024xf32>
    %swap3A_119 = arith.constant 0 : index
    %swap3A_120 = arith.constant 7 : index
    %swap3A_121 = arith.constant 0 : index
    %swap3A_122 = arith.constant 0 : index
    %swap3A_123 = vector.load %arg4[%swap3A_119, %swap3A_120, %swap3A_121, %swap3A_122] : memref<1x16x32x1024xf32, #tpu.memory_space<vmem>>, vector<1x1x32x1024xf32>
    %swap3A_124 = vector.shape_cast %swap3A_123 : vector<1x1x32x1024xf32> to vector<32x1024xf32>
    %swap3A_125 = vector.shape_cast %get3A_118 : vector<32x1024xf32> to vector<1x1x32x1024xf32>
    tpu.vector_store %arg4[%swap3A_119, %swap3A_120, %swap3A_121, %swap3A_122], %swap3A_125 {strides = array<i32>} : memref<1x16x32x1024xf32, #tpu.memory_space<vmem>>, vector<1x1x32x1024xf32>,
    %get3A_126 = arith.constant 8 : index
    %get3A_127 = arith.constant 0 : index
    %get3A_128 = memref.load %arg1[%get3A_126, %get3A_127] : memref<16x16xi32, #tpu.memory_space<smem>>
    %get3A_129 = arith.constant 0 : index
    %get3A_130 = arith.index_cast %get3A_128 : i32 to index
    %get3A_131 = arith.constant 0 : index
    %get3A_132 = arith.constant 0 : index
    %get3A_133 = vector.load %arg3[%get3A_129, %get3A_130, %get3A_131, %get3A_132] : memref<1x108x32x1024xf32, #tpu.memory_space<vmem>>, vector<1x1x32x1024xf32>
    %get3A_134 = vector.shape_cast %get3A_133 : vector<1x1x32x1024xf32> to vector<32x1024xf32>
    %swap3A_135 = arith.constant 0 : index
    %swap3A_136 = arith.constant 8 : index
    %swap3A_137 = arith.constant 0 : index
    %swap3A_138 = arith.constant 0 : index
    %swap3A_139 = vector.load %arg4[%swap3A_135, %swap3A_136, %swap3A_137, %swap3A_138] : memref<1x16x32x1024xf32, #tpu.memory_space<vmem>>, vector<1x1x32x1024xf32>
    %swap3A_140 = vector.shape_cast %swap3A_139 : vector<1x1x32x1024xf32> to vector<32x1024xf32>
    %swap3A_141 = vector.shape_cast %get3A_134 : vector<32x1024xf32> to vector<1x1x32x1024xf32>
    tpu.vector_store %arg4[%swap3A_135, %swap3A_136, %swap3A_137, %swap3A_138], %swap3A_141 {strides = array<i32>} : memref<1x16x32x1024xf32, #tpu.memory_space<vmem>>, vector<1x1x32x1024xf32>,
    %get3A_142 = arith.constant 9 : index
    %get3A_143 = arith.constant 0 : index
    %get3A_144 = memref.load %arg1[%get3A_142, %get3A_143] : memref<16x16xi32, #tpu.memory_space<smem>>
    %get3A_145 = arith.constant 0 : index
    %get3A_146 = arith.index_cast %get3A_144 : i32 to index
    %get3A_147 = arith.constant 0 : index
    %get3A_148 = arith.constant 0 : index
    %get3A_149 = vector.load %arg3[%get3A_145, %get3A_146, %get3A_147, %get3A_148] : memref<1x108x32x1024xf32, #tpu.memory_space<vmem>>, vector<1x1x32x1024xf32>
    %get3A_150 = vector.shape_cast %get3A_149 : vector<1x1x32x1024xf32> to vector<32x1024xf32>
    %swap3A_151 = arith.constant 0 : index
    %swap3A_152 = arith.constant 9 : index
    %swap3A_153 = arith.constant 0 : index
    %swap3A_154 = arith.constant 0 : index
    %swap3A_155 = vector.load %arg4[%swap3A_151, %swap3A_152, %swap3A_153, %swap3A_154] : memref<1x16x32x1024xf32, #tpu.memory_space<vmem>>, vector<1x1x32x1024xf32>
    %swap3A_156 = vector.shape_cast %swap3A_155 : vector<1x1x32x1024xf32> to vector<32x1024xf32>
    %swap3A_157 = vector.shape_cast %get3A_150 : vector<32x1024xf32> to vector<1x1x32x1024xf32>
    tpu.vector_store %arg4[%swap3A_151, %swap3A_152, %swap3A_153, %swap3A_154], %swap3A_157 {strides = array<i32>} : memref<1x16x32x1024xf32, #tpu.memory_space<vmem>>, vector<1x1x32x1024xf32>,
    %get3A_158 = arith.constant 10 : index
    %get3A_159 = arith.constant 0 : index
    %get3A_160 = memref.load %arg1[%get3A_158, %get3A_159] : memref<16x16xi32, #tpu.memory_space<smem>>
    %get3A_161 = arith.constant 0 : index
    %get3A_162 = arith.index_cast %get3A_160 : i32 to index
    %get3A_163 = arith.constant 0 : index
    %get3A_164 = arith.constant 0 : index
    %get3A_165 = vector.load %arg3[%get3A_161, %get3A_162, %get3A_163, %get3A_164] : memref<1x108x32x1024xf32, #tpu.memory_space<vmem>>, vector<1x1x32x1024xf32>
    %get3A_166 = vector.shape_cast %get3A_165 : vector<1x1x32x1024xf32> to vector<32x1024xf32>
    %swap3A_167 = arith.constant 0 : index
    %swap3A_168 = arith.constant 10 : index
    %swap3A_169 = arith.constant 0 : index
    %swap3A_170 = arith.constant 0 : index
    %swap3A_171 = vector.load %arg4[%swap3A_167, %swap3A_168, %swap3A_169, %swap3A_170] : memref<1x16x32x1024xf32, #tpu.memory_space<vmem>>, vector<1x1x32x1024xf32>
    %swap3A_172 = vector.shape_cast %swap3A_171 : vector<1x1x32x1024xf32> to vector<32x1024xf32>
    %swap3A_173 = vector.shape_cast %get3A_166 : vector<32x1024xf32> to vector<1x1x32x1024xf32>
    tpu.vector_store %arg4[%swap3A_167, %swap3A_168, %swap3A_169, %swap3A_170], %swap3A_173 {strides = array<i32>} : memref<1x16x32x1024xf32, #tpu.memory_space<vmem>>, vector<1x1x32x1024xf32>,
    %get3A_174 = arith.constant 11 : index
    %get3A_175 = arith.constant 0 : index
    %get3A_176 = memref.load %arg1[%get3A_174, %get3A_175] : memref<16x16xi32, #tpu.memory_space<smem>>
    %get3A_177 = arith.constant 0 : index
    %get3A_178 = arith.index_cast %get3A_176 : i32 to index
    %get3A_179 = arith.constant 0 : index
    %get3A_180 = arith.constant 0 : index
    %get3A_181 = vector.load %arg3[%get3A_177, %get3A_178, %get3A_179, %get3A_180] : memref<1x108x32x1024xf32, #tpu.memory_space<vmem>>, vector<1x1x32x1024xf32>
    %get3A_182 = vector.shape_cast %get3A_181 : vector<1x1x32x1024xf32> to vector<32x1024xf32>
    %swap3A_183 = arith.constant 0 : index
    %swap3A_184 = arith.constant 11 : index
    %swap3A_185 = arith.constant 0 : index
    %swap3A_186 = arith.constant 0 : index
    %swap3A_187 = vector.load %arg4[%swap3A_183, %swap3A_184, %swap3A_185, %swap3A_186] : memref<1x16x32x1024xf32, #tpu.memory_space<vmem>>, vector<1x1x32x1024xf32>
    %swap3A_188 = vector.shape_cast %swap3A_187 : vector<1x1x32x1024xf32> to vector<32x1024xf32>
    %swap3A_189 = vector.shape_cast %get3A_182 : vector<32x1024xf32> to vector<1x1x32x1024xf32>
    tpu.vector_store %arg4[%swap3A_183, %swap3A_184, %swap3A_185, %swap3A_186], %swap3A_189 {strides = array<i32>} : memref<1x16x32x1024xf32, #tpu.memory_space<vmem>>, vector<1x1x32x1024xf32>,
    %get3A_190 = arith.constant 12 : index
    %get3A_191 = arith.constant 0 : index
    %get3A_192 = memref.load %arg1[%get3A_190, %get3A_191] : memref<16x16xi32, #tpu.memory_space<smem>>
    %get3A_193 = arith.constant 0 : index
    %get3A_194 = arith.index_cast %get3A_192 : i32 to index
    %get3A_195 = arith.constant 0 : index
    %get3A_196 = arith.constant 0 : index
    %get3A_197 = vector.load %arg3[%get3A_193, %get3A_194, %get3A_195, %get3A_196] : memref<1x108x32x1024xf32, #tpu.memory_space<vmem>>, vector<1x1x32x1024xf32>
    %get3A_198 = vector.shape_cast %get3A_197 : vector<1x1x32x1024xf32> to vector<32x1024xf32>
    %swap3A_199 = arith.constant 0 : index
    %swap3A_200 = arith.constant 12 : index
    %swap3A_201 = arith.constant 0 : index
    %swap3A_202 = arith.constant 0 : index
    %swap3A_203 = vector.load %arg4[%swap3A_199, %swap3A_200, %swap3A_201, %swap3A_202] : memref<1x16x32x1024xf32, #tpu.memory_space<vmem>>, vector<1x1x32x1024xf32>
    %swap3A_204 = vector.shape_cast %swap3A_203 : vector<1x1x32x1024xf32> to vector<32x1024xf32>
    %swap3A_205 = vector.shape_cast %get3A_198 : vector<32x1024xf32> to vector<1x1x32x1024xf32>
    tpu.vector_store %arg4[%swap3A_199, %swap3A_200, %swap3A_201, %swap3A_202], %swap3A_205 {strides = array<i32>} : memref<1x16x32x1024xf32, #tpu.memory_space<vmem>>, vector<1x1x32x1024xf32>,
    %get3A_206 = arith.constant 13 : index
    %get3A_207 = arith.constant 0 : index
    %get3A_208 = memref.load %arg1[%get3A_206, %get3A_207] : memref<16x16xi32, #tpu.memory_space<smem>>
    %get3A_209 = arith.constant 0 : index
    %get3A_210 = arith.index_cast %get3A_208 : i32 to index
    %get3A_211 = arith.constant 0 : index
    %get3A_212 = arith.constant 0 : index
    %get3A_213 = vector.load %arg3[%get3A_209, %get3A_210, %get3A_211, %get3A_212] : memref<1x108x32x1024xf32, #tpu.memory_space<vmem>>, vector<1x1x32x1024xf32>
    %get3A_214 = vector.shape_cast %get3A_213 : vector<1x1x32x1024xf32> to vector<32x1024xf32>
    %swap3A_215 = arith.constant 0 : index
    %swap3A_216 = arith.constant 13 : index
    %swap3A_217 = arith.constant 0 : index
    %swap3A_218 = arith.constant 0 : index
    %swap3A_219 = vector.load %arg4[%swap3A_215, %swap3A_216, %swap3A_217, %swap3A_218] : memref<1x16x32x1024xf32, #tpu.memory_space<vmem>>, vector<1x1x32x1024xf32>
    %swap3A_220 = vector.shape_cast %swap3A_219 : vector<1x1x32x1024xf32> to vector<32x1024xf32>
    %swap3A_221 = vector.shape_cast %get3A_214 : vector<32x1024xf32> to vector<1x1x32x1024xf32>
    tpu.vector_store %arg4[%swap3A_215, %swap3A_216, %swap3A_217, %swap3A_218], %swap3A_221 {strides = array<i32>} : memref<1x16x32x1024xf32, #tpu.memory_space<vmem>>, vector<1x1x32x1024xf32>,
    %get3A_222 = arith.constant 14 : index
    %get3A_223 = arith.constant 0 : index
    %get3A_224 = memref.load %arg1[%get3A_222, %get3A_223] : memref<16x16xi32, #tpu.memory_space<smem>>
    %get3A_225 = arith.constant 0 : index
    %get3A_226 = arith.index_cast %get3A_224 : i32 to index
    %get3A_227 = arith.constant 0 : index
    %get3A_228 = arith.constant 0 : index
    %get3A_229 = vector.load %arg3[%get3A_225, %get3A_226, %get3A_227, %get3A_228] : memref<1x108x32x1024xf32, #tpu.memory_space<vmem>>, vector<1x1x32x1024xf32>
    %get3A_230 = vector.shape_cast %get3A_229 : vector<1x1x32x1024xf32> to vector<32x1024xf32>
    %swap3A_231 = arith.constant 0 : index
    %swap3A_232 = arith.constant 14 : index
    %swap3A_233 = arith.constant 0 : index
    %swap3A_234 = arith.constant 0 : index
    %swap3A_235 = vector.load %arg4[%swap3A_231, %swap3A_232, %swap3A_233, %swap3A_234] : memref<1x16x32x1024xf32, #tpu.memory_space<vmem>>, vector<1x1x32x1024xf32>
    %swap3A_236 = vector.shape_cast %swap3A_235 : vector<1x1x32x1024xf32> to vector<32x1024xf32>
    %swap3A_237 = vector.shape_cast %get3A_230 : vector<32x1024xf32> to vector<1x1x32x1024xf32>
    tpu.vector_store %arg4[%swap3A_231, %swap3A_232, %swap3A_233, %swap3A_234], %swap3A_237 {strides = array<i32>} : memref<1x16x32x1024xf32, #tpu.memory_space<vmem>>, vector<1x1x32x1024xf32>,
    %get3A_238 = arith.constant 15 : index
    %get3A_239 = arith.constant 0 : index
    %get3A_240 = memref.load %arg1[%get3A_238, %get3A_239] : memref<16x16xi32, #tpu.memory_space<smem>>
    %get3A_241 = arith.constant 0 : index
    %get3A_242 = arith.index_cast %get3A_240 : i32 to index
    %get3A_243 = arith.constant 0 : index
    %get3A_244 = arith.constant 0 : index
    %get3A_245 = vector.load %arg3[%get3A_241, %get3A_242, %get3A_243, %get3A_244] : memref<1x108x32x1024xf32, #tpu.memory_space<vmem>>, vector<1x1x32x1024xf32>
    %get3A_246 = vector.shape_cast %get3A_245 : vector<1x1x32x1024xf32> to vector<32x1024xf32>
    %swap3A_247 = arith.constant 0 : index
    %swap3A_248 = arith.constant 15 : index
    %swap3A_249 = arith.constant 0 : index
    %swap3A_250 = arith.constant 0 : index
    %swap3A_251 = vector.load %arg4[%swap3A_247, %swap3A_248, %swap3A_249, %swap3A_250] : memref<1x16x32x1024xf32, #tpu.memory_space<vmem>>, vector<1x1x32x1024xf32>
    %swap3A_252 = vector.shape_cast %swap3A_251 : vector<1x1x32x1024xf32> to vector<32x1024xf32>
    %swap3A_253 = vector.shape_cast %get3A_246 : vector<32x1024xf32> to vector<1x1x32x1024xf32>
    tpu.vector_store %arg4[%swap3A_247, %swap3A_248, %swap3A_249, %swap3A_250], %swap3A_253 {strides = array<i32>} : memref<1x16x32x1024xf32, #tpu.memory_space<vmem>>, vector<1x1x32x1024xf32>,
    return
  }
  func.func @transform_0(%arg0: i32) -> (i32, i32) {
    %c0_i32 = arith.constant 0 : i32
    %c0_i32_0 = arith.constant 0 : i32
    %c0_i32_1 = arith.constant 0 : i32
    return %c0_i32, %c0_i32_0 : i32, i32
  }
  func.func @transform_1(%arg0: i32) -> (i32, i32, i32) {
    %c0_i32 = arith.constant 0 : i32
    %c0_i32_0 = arith.constant 0 : i32
    %c0_i32_1 = arith.constant 0 : i32
    %c0_i32_2 = arith.constant 0 : i32
    return %c0_i32, %c0_i32_0, %c0_i32_1 : i32, i32, i32
  }
  func.func @transform_2(%arg0: i32) -> (i32, i32, i32, i32) {
    %c0_i32 = arith.constant 0 : i32
    %c0_i32_0 = arith.constant 0 : i32
    %c0_i32_1 = arith.constant 0 : i32
    %c0_i32_2 = arith.constant 0 : i32
    return %arg0, %c0_i32, %c0_i32_0, %c0_i32_1 : i32, i32, i32, i32
  }
  func.func @transform_3(%arg0: i32) -> (i32, i32, i32, i32) {
    %c0_i32 = arith.constant 0 : i32
    %c0_i32_0 = arith.constant 0 : i32
    %c0_i32_1 = arith.constant 0 : i32
    %c0_i32_2 = arith.constant 0 : i32
    return %arg0, %c0_i32, %c0_i32_0, %c0_i32_1 : i32, i32, i32, i32
  }
}

</mosaic_0001>

<sc_bundles>
// kernel: sparse-core-data-format-call.cloned.1.call-start
scs
called_computation_lowered:
.L_overlay_start_0:
0x0: {  	s1 =	sld [smem:$0x3FD9]  }
0x1: {  	s2 =	sld [smem:$0x3FFE];
	_ =	sdelay $0x1  }
0x2: {  	s3 =	srdreg.scid  }
0x3: {  	s0 =	sand.u32 $0x1, s3  }
0x4: {  	s17 =	sshll.u32 s0, $0xA;
	s1 =	sadd.s32 s2, s1  }
0x5: {  	s1 =	sadd.s32 s1, s17  }
0x6: {  	[smem:$0x3FBF] =	sst s1  }
0x7: {  	_ = 	snop  }
0x8: {  	(tm) =	ssettm $0x1  }
0x9: {  	s18 =	sld [smem:$0x3FFB];
	_ =	sdelay $0x3  }
0xa: {  	_ =	strace s18  }
0xb: {  	s1 =	sld [smem:$0x3FFC];
	_ =	sdelay $0x3  }
0xc: {  	_ =	strace s1  }
0xd: {  	s1 =	sld [smem:$0x3FFD];
	_ =	sdelay $0x3  }
0xe: {  	_ =	strace s1  }
0xf: {  	_ =	strace $0x8FFFFFFF  }
0x10: {  	s19 =	sld [smem:$0x3FDB];
	_ =	sdelay $0x1  }
0x11: {  	s20 =	simm.s32 $_scs_section_size  }
0x12: {  	s4 =	simm.s32 $_size__tile_overlayer_lowered;
	s5 =	simm.s32 $_tile_overlayer_lowered  }
0x13: {  	s23 =	simm.s32 $0x1BFF;
	s22 =	sshll.u32 s5, $0x1;
	s1 =	sadd.s32 s20, s19  }
0x14: {  	s6 =	simm.s32 $0x0;
	s21 =	sshll.u32 s4, $0x1;
	s4 =	sadd.s32 s22, s1  }
0x15: {  	[timem:s6], [sflag:s23] =	dma.local [hbm:s4], s21  }
0x16: {  	_ =	swait.ge [sflag:s23], s21  }
0x17: {  	s2 =	ssub.s32 $0x0, s21;
	[sflag:s23] =	ssyncset.done $0x0  }
0x18: {  	[sflag:s23] =	ssyncadd.s32 s2;
	_ =	sdelay $0x1  }
0x19: {  	s24 =	simm.s32 $0x1B8B  }
0x1a: {  	_ =	swait.ge [sflag:s24], $0x1  }
0x1b: {  	[sflag:s24] =	ssyncset.done $0x0  }
0x1c: {  	s26 =	simm.s32 $0x1B8E;
	s25 =	sld [smem:$0x3FFE];
	[sflag:s24] =	ssyncadd.s32 $0xFFFFFFFF  }
0x1d: {  	s27 =	simm.s32 $execute0_lowered;
	[smem:$0x3FD2] =	sst s26  }
0x1e: {  	s4 =	sshll.u32 s27, $0x1;
	_ =	strace $0x80000046;
	[dreg:$0x1] =	wrdreg $0xFFFFFFFF  }
0x1f: {  	s28 =	simm.s32 $_size_execute0_lowered;
	s1 =	sadd.s32 s1, s4;
	[dreg:$0x0] =	wrdreg $0x0  }
0x20: {  	s4 =	sshll.u32 s28, $0x1;
	[dreg:$0x2] =	wrdreg s1  }
0x21: {  	[dreg:$0x3] =	wrdreg s4  }
0x22: {  	[dreg:$0x4] =	wrdreg $0xC0  }
0x23: {  	_ =	task [dreg:s6], $0x5FFFF  }
0x24: {  	[dreg:$0x1] =	wrdreg $0xFFFFFFFF  }
0x25: {  	[dreg:$0x0] =	wrdreg $0x60  }
0x26: {  	[dreg:$0x2] =	wrdreg s25  }
0x27: {  	[dreg:$0x3] =	wrdreg $0x9  }
0x28: {  	_ =	task.clear_ibuf [dreg:s6], $0x4FFFF;
	_ =	strace $0x90000046  }
0x29: {  	s29 =	simm.s32 $0x9;
	_ =	strace $0x80000048  }
0x2a: {  	_ =	swait.ge [sflag:s29], $0x1  }
0x2b: {  	[sflag:s29] =	ssyncadd.s32 $0xFFFFFFFF  }
0x2c: {  	_ =	strace $0x90000048  }
0x2d: {  	_ =	sfence  }
0x2e: {  	s30 =	sld [smem:$0x0];
	_ =	sdelay $0x2  }
0x2f: {  	s31 =	sshll.u32 s3, $0xD;
	s3 =	sshrl.u32 s3, $0x2  }
0x30: {  	s2 =	sand.u32 $0x4000, s31;
	s1 =	sadd.s32 s3, s30  }
0x31: {  	s0 =	sor.u32 s2, s0;
	s1 =	sshll.u32 s1, $0x11  }
0x32: {  	s0 =	sor.u32 s1, s0  }
0x33: {  	s0 =	sadd.s32 $0x8F2B, s0  }
0x34: {  	[sflag:s0] =	ssyncadd.remote.s32 $0x1  }
0x35: {  	_ =	sfence.sel $0xFFFF  }
0x36: {  	[dreg:$0x0] =	wrdreg $0xFFFFFFFF;
	(pc) =	sbr.abs _section_cstart, $3  }
0x37: {  	[dreg:$0x1] =	wrdreg $0xFFFFFFFF  }
0x38: {  	_ =	task.clear_ibuf [dreg:s6], $0x2FFFF;
	_ =	strace $0x9FFFFFFF  }
0x39: {  	(tm) =	ssettm $0x7FFFFFFF  }
tec
execute0_lowered:
.L_overlay_start_1:
0x0: {  	(tag) =	ssettag $0x1  }
0x1: {  	s8 =	rddreg [dreg:$0x0]  }
0x2: {  	s1 =	srdreg.scid;
	s0 =	rddreg [dreg:$0x1];
	_ =	strace $0x80000047  }
0x3: {  	s6 =	simm.s32 $0x1;
	s31 =	simm.s32 $0x2;
	s15 =	simm.s32 $0x0  }
0x4: {  	s12 =	simm.s32 $0x0;
	s16 =	simm.s32 $0x0;
	s18 =	simm.s32 $0x0  }
0x5: {  	s17 =	simm.s32 $0x0;
	s13 =	simm.s32 $0x0;
	s1 =	sshll.u32 s1, $0x4  }
0x6: {  	s14 =	simm.s32 $0x0;
	s3 =	sadd.s32 $0x6C0000, s8;
	s2 =	sand.u32 $0x10, s1  }
0x7: {  	[sflag:s6] =	ssyncpa.u1 $0x0;
	s1 =	stileid.u32;
	s7 =	ssub.s32 $0x20, s2  }
0x8: {  	[sflag:s31] =	ssyncpa.u1 $0x0;
	s4 =	sand.u32 $0x3, s1;
	s9 =	sshrl.u32 s7, $0x4  }
.Ltmp0:
0x9: {  	s7 =	sshrl.u32 s7, $0x5;
	s9 =	sand.u32 $0x1, s9;
	(pc) =	sbr.rel .LBB1_1-.Ltmp0, $4  }
0xa: {  	s5 =	sshrl.u32 s1, $0x2;
	s30 =	sshll.u32 s4, $0x10;
	s7 =	sadd.s32 s7, s9  }
0xb: {  	s10 =	sshll.u32 s5, $0xE;
	s8 =	sadd.s32 s8, s30;
	s7 =	smul.u32 $0x1B, s7  }
0xc: {  	s11 =	sshll.u32 s2, $0x9;
	s8 =	sadd.s32 s10, s8;
	s10 =	simm.s32 $0x20  }
0xd: {  	s8 =	sadd.s32 s11, s8;
	s11 =	simm.s32 $0x80;
	s9 =	sadd.s32 $0x1, s7  }
.LBB1_7:
0xe: {  	s19 =	sadd.s32 $0x1, s13  }
0xf: {  	p1 =	sgt.s32 s19, $0x1A  }
0x10: {  	s19 =	simm.s32 @p1 $0x0;
	p1 =	sne.s32 s14, s9  }
.Ltmp1:
0x11: {  	p0 =	slt.u32 s14, $0x2;
	(pc) =	sbr.rel @!p1 .LBB1_8-.Ltmp1, $4  }
0x12: {  	s20 =	sadd.s32 $0x1, s14;
	s17 =	smov.u32 s13;
	s15 =	simm.s32 @!p0 $0x2  }
0x13: {  	s12 =	sadd.s32 $0x4000, s12;
	s16 =	smov.u32 s5;
	_ =	swait.ge @!p0 [sflag:s15], $0x4000  }
0x14: {  	s18 =	smov.u32 s4;
	s14 =	smov.u32 s20;
	[sflag:s15] =	ssyncset.done @!p0 $0x0  }
0x15: {  	s13 =	smov.u32 s19;
	[sflag:s15] =	ssyncadd.s32 @!p0 $0xFFFFC000;
	s15 =	smov.u32 s2  }
.LBB1_1:
0x16: {  	p0 =	sge.u32 s14, s7  }
0x17: {  	s31 =	sadd.s32 $0xFFFFFFFF, s14;
	s19 =	sxor.u32 @!p0 $0xFFFFFFFF, s14  }
0x18: {  	s20 =	sshll.u32 @!p0 s13, $0x12;
	s21 =	simm.s32 @!p0 $0x20;
	s19 =	sshll.u32 @!p0 s19, $0xE  }
0x19: {  	s22 =	simm.s32 @!p0 $0x80;
	s20 =	sadd.s32 @!p0 s20, s8;
	s19 =	sand.u32 @!p0 $0x4000, s19  }
0x1a: {  	[tilespmem:s19], [sflag:$0x1] =	stream.strided.gather @!p0 [hbm4b:s20+s21], $0x4000, s22, s21, $0x38;
	[tilespmem:$0x10000] =	vst v63  }
0x1b: {  	p0 =	sge.u32 s31, s7  }
.Ltmp2:
0x1c: {  	_ = 	snop;
	(pc) =	sbr.rel @p0 .LBB1_7-.Ltmp2, $1  }
0x1d: {  	_ =	sdelay $0x3  }
0x1e: {  	s19 =	sand.u32 $0x4000, s12  }
0x1f: {  	_ =	swait.ge [sflag:s6], $0x4000;
	s22 =	sshll.u32 s14, $0xE;
	s20 =	sor.u32 $0x8010, s19  }
0x20: {  	s21 =	sor.u32 $0x10, s19;
	[sflag:s6] =	ssyncset.done $0x0;
	s31 =	sand.u32 $0x4000, s22  }
0x21: {  	s22 =	simm.s32 $0x0;
	[sflag:s6] =	ssyncadd.s32 $0xFFFFC000;
	s19 =	sor.u32 $0x8000, s31  }
.LBB1_3:
0x22: {  	v1 =	vmov s21;
	_ =	sdelay $0x3  }
0x23: {  	s23 =	simm.s32 $0x0  }
0x24: {  	v2 =	vld.idx.msk [tilespmem:v1+s23+$0x0 ss:$0x1], $0xffff  }
0x25: {  	v0 =	vmov s20;
	s24 =	simm.s32 $0x80;
	v3 =	vld.idx.msk [tilespmem:v1+s23+$0xFFFFFFF0 ss:$0x1], $0xffff  }
.LBB1_4:
0x26: {  	p0 =	sne.s32 s24, $0xF80  }
.Ltmp3:
0x27: {  	_ = 	snop;
	(pc) =	sbr.rel @p0 .LBB1_4-.Ltmp3, $4  }
0x28: {  	_ = 	snop  }
0x29: {  	s25 =	sshra.s32 s24, $0x2;
	s24 =	sadd.s32 $0x80, s24  }
0x2a: {  	[tilespmem:v0+s23+$0x0 ss:$0x1] =	vst.idx.msk $0xffff, v2;
	v2 =	vld.idx.msk [tilespmem:v1+s25+$0x0 ss:$0x1], $0xffff  }
0x2b: {  	[tilespmem:v0+s23+$0xFFFFFFF0 ss:$0x1] =	vst.idx.msk $0xffff, v3;
	v3 =	vld.idx.msk [tilespmem:v1+s25+$0xFFFFFFF0 ss:$0x1], $0xffff;
	s23 =	smov.u32 s25  }
0x2c: {  	s22 =	sadd.s32 $0x1, s22  }
0x2d: {  	p0 =	sne.s32 s22, $0x10  }
.Ltmp4:
0x2e: {  	_ = 	snop;
	(pc) =	sbr.rel @p0 .LBB1_3-.Ltmp4, $3  }
0x2f: {  	_ =	sdelay $0x1  }
0x30: {  	[tilespmem:v0+s23+$0x0 ss:$0x1] =	vst.idx.msk $0xffff, v2  }
0x31: {  	s20 =	sadd.s32 $0x400, s20;
	s21 =	sadd.s32 $0x400, s21;
	[tilespmem:v0+s23+$0xFFFFFFF0 ss:$0x1] =	vst.idx.msk $0xffff, v3  }
0x32: {  	s18 =	smul.u32 $0x1B0000, s18;
	s17 =	sshll.u32 s17, $0x10  }
.Ltmp5:
0x33: {  	s17 =	sadd.s32 s3, s17;
	(pc) =	sbr.rel .LBB1_7-.Ltmp5, $4  }
0x34: {  	s16 =	sshll.u32 s16, $0xE;
	s17 =	sadd.s32 s18, s17  }
0x35: {  	s15 =	sshll.u32 s15, $0x9;
	s16 =	sadd.s32 s16, s17  }
0x36: {  	s15 =	sadd.s32 s15, s16  }
0x37: {  	[hbm4b:s15+s10] =	stream.strided.scatter [tilespmem:s19], [sflag:$0x2], $0x4000, s11, s10, $0x38;
	[tilespmem:$0x10000] =	vst v63  }
.LBB1_8:
0x38: {  	_ =	sfence.sel $0x180000  }
0x39: {  	s2 =	simm.s32 $0x1;
	[bflag:$0x0] =	sbarrier.arrive $0xFFFF  }
0x3a: {  	s31 =	simm.s32 $0x2;
	[sflag:s2] =	ssyncpa.u1 $0x1  }
0x3b: {  	[sflag:s31] =	ssyncpa.u1 $0x1  }
0x3c: {  	p0 =	sne.s32 s1, $0x0;
	_ =	strace $0x90000047  }
0x3d: {  	s0 =	sadd.s32 @!p0 $0x100000, s0;
	[bflag:$0x2] =	sbarrier.arrive $0xFFFF  }
0x3e: {  	[sflag:s0] =	ssyncadd.tile.s32 @!p0 $0x1;
	_ =	shalt  }
.Lfunc_end1:
_tile_overlayer_lowered:
.L_overlay_start_2:
0x3f: {  	(tag) =	ssettag $0x2  }
0x40: {  	s0 =	rddreg [dreg:$0x0];
	s2 =	stileid.u32  }
0x41: {  	s1 =	rddreg [dreg:$0x1];
	p0 =	sne.s32 s2, $0x0  }
0x42: {  	s3 =	rddreg [dreg:$0x2];
	[bflag:$0x3] =	sbarrier.arrive $0xFFFF;
	s2 =	simm.s32 @!p0 $0x1C01  }
0x43: {  	[timem:s3], [sflag:s2] =	dma.local @!p0 [hbm:s0], s1  }
0x44: {  	s0 =	simm.s32 @!p0 $0x1  }
0x45: {  	_ =	swait.ge @!p0 [sflag:s0], s1  }
0x46: {  	s1 =	ssub.s32 @!p0 $0x0, s1;
	[sflag:s0] =	ssyncset.done @!p0 $0x0  }
0x47: {  	[sflag:s0] =	ssyncadd.s32 @!p0 s1  }
0x48: {  	[bflag:$0x3] =	sbarrier.arrive $0xFFFF  }
0x49: {  	_ =	shalt  }

</sc_bundles>
